<compile_context>
chip_gen: v7x
topology: tpu7x:2x2x1
jax: 0.10.2.dev20260603
libtpu: 0.0.44.dev20260713+nightly
codegen_flags: <defaults>
</compile_context>

<pallas_src>
import functools

import jax
import jax.numpy as jnp
from jax import lax
from jax.experimental import pallas as pl
from jax.experimental.pallas import tpu as pltpu
from jax.experimental.pallas import tpu_sc as plsc

_N = 10000
_E = 320000
_D = 128

_NC = 2
_NS = 16
_NW = _NC * _NS
_L = 16

_W = 80
_ROWS = (_E // _NS) // _W
_GROWS = _ROWS // _NC


def _sc_edge_inv_deg(dst3d):

    mesh = plsc.VectorSubcoreMesh(core_axis_name="c", subcore_axis_name="s")

    @functools.partial(
        pl.kernel,
        out_type=jax.ShapeDtypeStruct((_NW, _GROWS, _W), jnp.float32),
        mesh=mesh,
        scratch_types=[
            pltpu.VMEM((_ROWS, _W), jnp.int32),
            pltpu.VMEM((_W,), jnp.float32),
            pltpu.VMEM((_N,), jnp.float32),
            pltpu.VMEM((_GROWS, _W), jnp.float32),
            pltpu.VMEM_SHARED((_N,), jnp.float32),
        ],
        compiler_params=pltpu.CompilerParams(needs_layout_passes=False),
    )
    def k(dst_hbm, out_hbm, idx_v, ones_v, hist_v, vals_v, hist_sp):
        c = lax.axis_index("c")
        s = lax.axis_index("s")
        wid = s * _NC + c

        pltpu.sync_copy(dst_hbm.at[s], idx_v)

        for kk in range(_W // _L):
            ones_v[pl.ds(kk * _L, _L)] = jnp.full((_L,), 1.0, jnp.float32)

        def zero_body(i, _):
            hist_v[pl.ds(i * _L, _L)] = jnp.zeros((_L,), jnp.float32)
            return _
        lax.fori_loop(0, _N // _L, zero_body, None)

        @pl.when(s == 0)
        def _():
            pltpu.sync_copy(hist_v, hist_sp)

        plsc.subcore_barrier()

        def count_body(j, _):
            pltpu.sync_copy(ones_v, hist_sp.at[idx_v.at[j]], add=True)
            return _
        lax.fori_loop(0, _ROWS, count_body, None)

        plsc.subcore_barrier()

        pltpu.sync_copy(hist_sp, hist_v)
        def inv_body(i, _):
            h = hist_v[pl.ds(i * _L, _L)]
            hist_v[pl.ds(i * _L, _L)] = 1.0 / jnp.maximum(h, 1.0)
            return _
        lax.fori_loop(0, _N // _L, inv_body, None)

        def gather_body(j, _):
            row = c * _GROWS + j
            for kk in range(_W // _L):
                idx16 = idx_v[row, pl.ds(kk * _L, _L)]
                vals_v[j, pl.ds(kk * _L, _L)] = plsc.load_gather(hist_v, [idx16])
            return _
        lax.fori_loop(0, _GROWS, gather_body, None)

        pltpu.sync_copy(vals_v, out_hbm.at[wid])

    return k(dst3d)


_BS = 20


def _tc_broadcast_body(v_ref, o_ref):
    v = v_ref[0]
    row = lax.broadcasted_iota(jnp.int32, (_D, _D), 0)
    col = lax.broadcasted_iota(jnp.int32, (_D, _D), 1)
    eye = (row == col).astype(jnp.float32)
    a = v[:, None, :] * eye[None, :, :]
    sums = jnp.sum(a, axis=2, keepdims=True)
    o_ref[...] = jnp.broadcast_to(sums, (_BS, _D, _D))


def _tc_broadcast(vals2d):
    ng = vals2d.shape[0] // _BS
    vals3d = vals2d.reshape(ng, _BS, _D)
    out3 = pl.pallas_call(
        _tc_broadcast_body,
        grid=(ng,),
        in_specs=[pl.BlockSpec((1, _BS, _D), lambda i: (i, 0, 0))],
        out_specs=pl.BlockSpec((_BS, _D, _D), lambda i: (i, 0, 0)),
        out_shape=jax.ShapeDtypeStruct((vals2d.shape[0], _D, _D), jnp.float32),
    )(vals3d)
    return out3.reshape(_E, _D)


def kernel(x, edge_index, W_l, b_l, W_r, b_r):
    dst = edge_index[1]
    dst3d = dst.reshape(_NS, _ROWS, _W)
    vals = _sc_edge_inv_deg(dst3d)
    return vals

# --- scband reference (transcript-rebuilt; emitter-appended) ---
"""Pipeline reference for scband-type-attention-10685878632690 (READ-ONLY COPY).

The authoritative reference and input builder live on the scoring server;
editing this copy changes nothing except your own understanding.
"""

import jax, jax.numpy as jnp
import numpy as np

N = 10000
E = 320000
D = 128
SLOPE = 0.2


def setup_inputs(seed: int = 0) -> dict:
    key = jax.random.key(seed)
    k1, k2, k3, k4, k5, k6 = jax.random.split(key, 6)
    x = jax.random.normal(k1, (N, D), dtype=jnp.float32)
    edge_index = jax.random.randint(k2, (2, E), 0, N, dtype=jnp.int32)
    # HeteroLinear params for the single node type 'node': mu_l and mu_r, in_dim -> in_dim
    W_l = jax.random.normal(k3, (D, D), dtype=jnp.float32) * 0.05
    b_l = jnp.zeros((D,), dtype=jnp.float32)
    W_r = jax.random.normal(k4, (D, D), dtype=jnp.float32) * 0.05
    b_r = jnp.zeros((D,), dtype=jnp.float32)
    return {"x": x, "edge_index": edge_index, "W_l": W_l, "b_l": b_l, "W_r": W_r, "b_r": b_r}


def reference(x, edge_index, W_l, b_l, W_r, b_r):
    # Single node type / single canonical etype (node, edge, node): srctype == dsttype.
    src = edge_index[0]
    dst = edge_index[1]
    ones = jnp.ones((E,), dtype=jnp.float32)
    # out-degree symmetric normalization of source features
    out_deg = jnp.maximum(jax.ops.segment_sum(ones, src, num_segments=N), 1.0)
    norm_out = out_deg ** -0.5
    feat_src = x * norm_out[:, None]
    # update_all(copy_u, sum): scatter-add messages to destination nodes
    msg = feat_src[src]
    rst = jax.ops.segment_sum(msg, dst, num_segments=N)
    # in-degree normalization
    in_deg = jnp.maximum(jax.ops.segment_sum(ones, dst, num_segments=N), 1.0)
    norm_in = in_deg ** -0.5
    rst = rst * norm_in[:, None]
    h_t = rst  # h_t[srctype]
    # HeteroLinear projections (per-type linear; one type here)
    h_l = x @ W_l + b_l      # mu_l(h_dict)[dsttype]
    h_r = h_t @ W_r + b_r    # mu_r(h_t)[srctype]
    edge_attention = jax.nn.elu(h_l + h_r)  # [N, D], per-node (srctype == dsttype branch)
    # reverse graph + copy_u('m','alpha'): alpha[e] = m[dst(e)] on original orientation
    alpha = edge_attention[dst]  # [E, D]
    # edge_softmax over incoming edges per destination node
    seg_max = jax.ops.segment_max(alpha, dst, num_segments=N)
    seg_max = jnp.where(jnp.isfinite(seg_max), seg_max, 0.0)
    seg_max = jax.lax.stop_gradient(seg_max)
    ex = jnp.exp(alpha - seg_max[dst])
    denom = jax.ops.segment_sum(ex, dst, num_segments=N)
    attention = ex / denom[dst]
    return attention

if __name__ == "__main__":
    import jax
    _d = setup_inputs()
    print(jax.jit(kernel)(*tuple(_d.values())))

</pallas_src>

<mosaic_0001>
#map = affine_map<(d0, d1) -> (0, 0, 0)>
module attributes {stable_mosaic.version = 14 : i64} {
  func.func @k(%arg0: i32, %arg1: i32, %arg2: memref<16x250x80xi32, #tpu.memory_space<hbm>>, %arg3: memref<32x125x80xf32, #tpu.memory_space<hbm>>, %arg4: memref<250x80xi32, #tpu.memory_space<vmem>>, %arg5: memref<80xf32, #tpu.memory_space<vmem>>, %arg6: memref<10000xf32, #tpu.memory_space<vmem>>, %arg7: memref<125x80xf32, #tpu.memory_space<vmem>>, %arg8: memref<10000xf32, #tpu.memory_space<vmem_shared>>) attributes {dimension_semantics = [#tpu.dimension_semantics<core_parallel>, #tpu.dimension_semantics<subcore_parallel>], iteration_bounds = array<i64: 2, 16>, scalar_prefetch = 0 : i64, scratch_operands = 5 : i64, tpu.core_type = #tpu.core_type<sc_vector_subcore>, window_params = [{transform_indices = #map}, {transform_indices = #map}]} {
    %mul3A = arith.constant 2 : i32
    %mul3A_0 = arith.muli %arg1, %mul3A : i32
    %add3A = arith.addi %mul3A_0, %arg0 : i32
    "tpu.region"() ({
      %run_scoped3A = tpu.sem_alloc : memref<!tpu.dma_semaphore, #tpu.memory_space<semaphore_mem>>
      %dma_start3A = arith.constant 0 : i32
      %dma_start3A_41 = arith.constant 0 : i32
      %dma_start3A_42 = tpu.memref_slice %arg2[%arg1, %dma_start3A, %dma_start3A_41] : memref<16x250x80xi32, #tpu.memory_space<hbm>> -> memref<1x250x80xi32, #tpu.memory_space<hbm>>
      %dma_start3A_43 = tpu.memref_squeeze %dma_start3A_42 : memref<1x250x80xi32, #tpu.memory_space<hbm>> -> memref<250x80xi32, #tpu.memory_space<hbm>>
      %dma_start3A_44 = arith.constant 0 : i32
      %dma_start3A_45 = arith.constant 0 : i32
      %dma_start3A_46 = tpu.memref_slice %arg2[%arg1, %dma_start3A_44, %dma_start3A_45] : memref<16x250x80xi32, #tpu.memory_space<hbm>> -> memref<1x250x80xi32, #tpu.memory_space<hbm>>
      %dma_start3A_47 = tpu.memref_squeeze %dma_start3A_46 : memref<1x250x80xi32, #tpu.memory_space<hbm>> -> memref<250x80xi32, #tpu.memory_space<hbm>>
      tpu.enqueue_dma source(%dma_start3A_47 : memref<250x80xi32, #tpu.memory_space<hbm>>) target(%arg4 : memref<250x80xi32, #tpu.memory_space<vmem>>) target_semaphore(%run_scoped3A : memref<!tpu.dma_semaphore, #tpu.memory_space<semaphore_mem>>)
      %dma_wait3A = arith.constant 0 : i32
      %dma_wait3A_48 = arith.constant 0 : i32
      %dma_wait3A_49 = tpu.memref_slice %arg2[%arg1, %dma_wait3A, %dma_wait3A_48] : memref<16x250x80xi32, #tpu.memory_space<hbm>> -> memref<1x250x80xi32, #tpu.memory_space<hbm>>
      %dma_wait3A_50 = tpu.memref_squeeze %dma_wait3A_49 : memref<1x250x80xi32, #tpu.memory_space<hbm>> -> memref<250x80xi32, #tpu.memory_space<hbm>>
      %dma_wait3A_51 = arith.constant 0 : i32
      %dma_wait3A_52 = arith.constant 0 : i32
      %dma_wait3A_53 = tpu.memref_slice %arg2[%arg1, %dma_wait3A_51, %dma_wait3A_52] : memref<16x250x80xi32, #tpu.memory_space<hbm>> -> memref<1x250x80xi32, #tpu.memory_space<hbm>>
      %dma_wait3A_54 = tpu.memref_squeeze %dma_wait3A_53 : memref<1x250x80xi32, #tpu.memory_space<hbm>> -> memref<250x80xi32, #tpu.memory_space<hbm>>
      tpu.wait_dma2 semaphore(%run_scoped3A : memref<!tpu.dma_semaphore, #tpu.memory_space<semaphore_mem>>) src(%dma_wait3A_54 : memref<250x80xi32, #tpu.memory_space<hbm>>) dst(%arg4 : memref<250x80xi32, #tpu.memory_space<vmem>>)
      tpu.yield
    }) : () -> ()
    %broadcast_in_dim3A = arith.constant 1.000000e+00 : f32
    %broadcast_in_dim3A_1 = vector.broadcast %broadcast_in_dim3A : f32 to vector<16xf32>
    %swap3A = arith.constant 0 : index
    %swap3A_2 = tpu.vector_load %arg5[%swap3A] {strides = array<i32>} : memref<80xf32, #tpu.memory_space<vmem>>, vector<16xf32>,
    tpu.vector_store %arg5[%swap3A], %broadcast_in_dim3A_1 {strides = array<i32>} : memref<80xf32, #tpu.memory_space<vmem>>, vector<16xf32>,
    %broadcast_in_dim3A_3 = arith.constant 1.000000e+00 : f32
    %broadcast_in_dim3A_4 = vector.broadcast %broadcast_in_dim3A_3 : f32 to vector<16xf32>
    %swap3A_5 = arith.constant 16 : index
    %swap3A_6 = tpu.vector_load %arg5[%swap3A_5] {strides = array<i32>} : memref<80xf32, #tpu.memory_space<vmem>>, vector<16xf32>,
    tpu.vector_store %arg5[%swap3A_5], %broadcast_in_dim3A_4 {strides = array<i32>} : memref<80xf32, #tpu.memory_space<vmem>>, vector<16xf32>,
    %broadcast_in_dim3A_7 = arith.constant 1.000000e+00 : f32
    %broadcast_in_dim3A_8 = vector.broadcast %broadcast_in_dim3A_7 : f32 to vector<16xf32>
    %swap3A_9 = arith.constant 32 : index
    %swap3A_10 = tpu.vector_load %arg5[%swap3A_9] {strides = array<i32>} : memref<80xf32, #tpu.memory_space<vmem>>, vector<16xf32>,
    tpu.vector_store %arg5[%swap3A_9], %broadcast_in_dim3A_8 {strides = array<i32>} : memref<80xf32, #tpu.memory_space<vmem>>, vector<16xf32>,
    %broadcast_in_dim3A_11 = arith.constant 1.000000e+00 : f32
    %broadcast_in_dim3A_12 = vector.broadcast %broadcast_in_dim3A_11 : f32 to vector<16xf32>
    %swap3A_13 = arith.constant 48 : index
    %swap3A_14 = tpu.vector_load %arg5[%swap3A_13] {strides = array<i32>} : memref<80xf32, #tpu.memory_space<vmem>>, vector<16xf32>,
    tpu.vector_store %arg5[%swap3A_13], %broadcast_in_dim3A_12 {strides = array<i32>} : memref<80xf32, #tpu.memory_space<vmem>>, vector<16xf32>,
    %broadcast_in_dim3A_15 = arith.constant 1.000000e+00 : f32
    %broadcast_in_dim3A_16 = vector.broadcast %broadcast_in_dim3A_15 : f32 to vector<16xf32>
    %swap3A_17 = arith.constant 64 : index
    %swap3A_18 = tpu.vector_load %arg5[%swap3A_17] {strides = array<i32>} : memref<80xf32, #tpu.memory_space<vmem>>, vector<16xf32>,
    tpu.vector_store %arg5[%swap3A_17], %broadcast_in_dim3A_16 {strides = array<i32>} : memref<80xf32, #tpu.memory_space<vmem>>, vector<16xf32>,
    %scan3A = arith.constant 0 : i32
    %scan3A_19 = arith.constant 625 : i32
    %scan3A_20 = arith.addi %scan3A, %scan3A_19 : i32
    %scan3A_21 = arith.constant 1 : i32
    scf.for %scan3A_41 = %scan3A to %scan3A_20 step %scan3A_21  : i32 {
      %broadcast_in_dim3A_42 = arith.constant 0.000000e+00 : f32
      %broadcast_in_dim3A_43 = vector.broadcast %broadcast_in_dim3A_42 : f32 to vector<16xf32>
      %mul3A_44 = arith.constant 16 : i32
      %mul3A_45 = arith.muli %scan3A_41, %mul3A_44 : i32
      %swap3A_46 = arith.index_cast %mul3A_45 : i32 to index
      %swap3A_47 = tpu.vector_load %arg6[%swap3A_46] {strides = array<i32>} : memref<10000xf32, #tpu.memory_space<vmem>>, vector<16xf32>,
      tpu.vector_store %arg6[%swap3A_46], %broadcast_in_dim3A_43 {strides = array<i32>} : memref<10000xf32, #tpu.memory_space<vmem>>, vector<16xf32>,
    }
    %scan3A_22 = arith.constant 625 : i32
    %eq3A = arith.constant 0 : i32
    %eq3A_23 = arith.cmpi eq, %arg1, %eq3A : i32
    %convert_element_type3A = arith.extui %eq3A_23 : i1 to i32
    %cond3A = arith.constant 0 : i32
    %cond3A_24 = arith.cmpi ne, %convert_element_type3A, %cond3A : i32
    scf.if %cond3A_24 {
      "tpu.region"() ({
        %run_scoped3A = tpu.sem_alloc : memref<!tpu.dma_semaphore, #tpu.memory_space<semaphore_mem>>
        tpu.enqueue_dma source(%arg6 : memref<10000xf32, #tpu.memory_space<vmem>>) target(%arg8 : memref<10000xf32, #tpu.memory_space<vmem_shared>>) target_semaphore(%run_scoped3A : memref<!tpu.dma_semaphore, #tpu.memory_space<semaphore_mem>>)
        tpu.wait_dma2 semaphore(%run_scoped3A : memref<!tpu.dma_semaphore, #tpu.memory_space<semaphore_mem>>) src(%arg6 : memref<10000xf32, #tpu.memory_space<vmem>>) dst(%arg8 : memref<10000xf32, #tpu.memory_space<vmem_shared>>)
        tpu.yield
      }) : () -> ()
    } else {
    }
    %barrier3A = arith.constant 0 : index
    tpu.barrier barrier_id(%barrier3A)
    %scan3A_25 = arith.constant 0 : i32
    %scan3A_26 = arith.constant 250 : i32
    %scan3A_27 = arith.addi %scan3A_25, %scan3A_26 : i32
    %scan3A_28 = arith.constant 1 : i32
    scf.for %scan3A_41 = %scan3A_25 to %scan3A_27 step %scan3A_28  : i32 {
      "tpu.region"() ({
        %run_scoped3A = tpu.sem_alloc : memref<!tpu.dma_semaphore, #tpu.memory_space<semaphore_mem>>
        %dma_start3A = arith.constant 0 : i32
        %dma_start3A_42 = tpu.memref_slice %arg4[%scan3A_41, %dma_start3A] : memref<250x80xi32, #tpu.memory_space<vmem>> -> memref<1x80xi32, #tpu.memory_space<vmem>>
        %dma_start3A_43 = tpu.memref_squeeze %dma_start3A_42 : memref<1x80xi32, #tpu.memory_space<vmem>> -> memref<80xi32, #tpu.memory_space<vmem>>
        %dma_start3A_44 = arith.constant 0 : i32
        %dma_start3A_45 = tpu.memref_slice %arg8[%dma_start3A_44] : memref<10000xf32, #tpu.memory_space<vmem_shared>> -> memref<10000xf32, #tpu.memory_space<vmem_shared>>
        tpu.enqueue_indirect_dma source(%arg5 : memref<80xf32, #tpu.memory_space<vmem>>) target(%dma_start3A_45 : memref<10000xf32, #tpu.memory_space<vmem_shared>>) offsets(%dma_start3A_43 : memref<80xi32, #tpu.memory_space<vmem>>) semaphore(%run_scoped3A : memref<!tpu.dma_semaphore, #tpu.memory_space<semaphore_mem>>) {add = true}
        %dma_wait3A = arith.constant 0 : i32
        %dma_wait3A_46 = tpu.memref_slice %arg4[%scan3A_41, %dma_wait3A] : memref<250x80xi32, #tpu.memory_space<vmem>> -> memref<1x80xi32, #tpu.memory_space<vmem>>
        %dma_wait3A_47 = tpu.memref_squeeze %dma_wait3A_46 : memref<1x80xi32, #tpu.memory_space<vmem>> -> memref<80xi32, #tpu.memory_space<vmem>>
        %dma_wait3A_48 = arith.constant 0 : i32
        %dma_wait3A_49 = tpu.memref_slice %arg8[%dma_wait3A_48] : memref<10000xf32, #tpu.memory_space<vmem_shared>> -> memref<10000xf32, #tpu.memory_space<vmem_shared>>
        tpu.wait_indirect_dma semaphore(%run_scoped3A : memref<!tpu.dma_semaphore, #tpu.memory_space<semaphore_mem>>) src(%arg5 : memref<80xf32, #tpu.memory_space<vmem>>) dst(%dma_wait3A_49 : memref<10000xf32, #tpu.memory_space<vmem_shared>>)
        tpu.yield
      }) : () -> ()
    }
    %scan3A_29 = arith.constant 250 : i32
    %barrier3A_30 = arith.constant 0 : index
    tpu.barrier barrier_id(%barrier3A_30)
    "tpu.region"() ({
      %run_scoped3A = tpu.sem_alloc : memref<!tpu.dma_semaphore, #tpu.memory_space<semaphore_mem>>
      tpu.enqueue_dma source(%arg8 : memref<10000xf32, #tpu.memory_space<vmem_shared>>) target(%arg6 : memref<10000xf32, #tpu.memory_space<vmem>>) target_semaphore(%run_scoped3A : memref<!tpu.dma_semaphore, #tpu.memory_space<semaphore_mem>>)
      tpu.wait_dma2 semaphore(%run_scoped3A : memref<!tpu.dma_semaphore, #tpu.memory_space<semaphore_mem>>) src(%arg8 : memref<10000xf32, #tpu.memory_space<vmem_shared>>) dst(%arg6 : memref<10000xf32, #tpu.memory_space<vmem>>)
      tpu.yield
    }) : () -> ()
    %scan3A_31 = arith.constant 0 : i32
    %scan3A_32 = arith.constant 625 : i32
    %scan3A_33 = arith.addi %scan3A_31, %scan3A_32 : i32
    %scan3A_34 = arith.constant 1 : i32
    scf.for %scan3A_41 = %scan3A_31 to %scan3A_33 step %scan3A_34  : i32 {
      %mul3A_42 = arith.constant 16 : i32
      %mul3A_43 = arith.muli %scan3A_41, %mul3A_42 : i32
      %get3A = arith.index_cast %mul3A_43 : i32 to index
      %get3A_44 = tpu.vector_load %arg6[%get3A] {strides = array<i32>} : memref<10000xf32, #tpu.memory_space<vmem>>, vector<16xf32>,
      %max3A = arith.constant 1.000000e+00 : f32
      %max3A_45 = vector.broadcast %max3A : f32 to vector<16xf32>
      %max3A_46 = arith.maximumf %get3A_44, %max3A_45 : vector<16xf32>
      %div3A = arith.constant 1.000000e+00 : f32
      %div3A_47 = vector.broadcast %div3A : f32 to vector<16xf32>
      %div3A_48 = arith.divf %div3A_47, %max3A_46 : vector<16xf32>
      %mul3A_49 = arith.constant 16 : i32
      %mul3A_50 = arith.muli %scan3A_41, %mul3A_49 : i32
      %swap3A_51 = arith.index_cast %mul3A_50 : i32 to index
      %swap3A_52 = tpu.vector_load %arg6[%swap3A_51] {strides = array<i32>} : memref<10000xf32, #tpu.memory_space<vmem>>, vector<16xf32>,
      tpu.vector_store %arg6[%swap3A_51], %div3A_48 {strides = array<i32>} : memref<10000xf32, #tpu.memory_space<vmem>>, vector<16xf32>,
    }
    %scan3A_35 = arith.constant 625 : i32
    %scan3A_36 = arith.constant 0 : i32
    %scan3A_37 = arith.constant 125 : i32
    %scan3A_38 = arith.addi %scan3A_36, %scan3A_37 : i32
    %scan3A_39 = arith.constant 1 : i32
    scf.for %scan3A_41 = %scan3A_36 to %scan3A_38 step %scan3A_39  : i32 {
      %mul3A_42 = arith.constant 125 : i32
      %mul3A_43 = arith.muli %arg0, %mul3A_42 : i32
      %add3A_44 = arith.addi %mul3A_43, %scan3A_41 : i32
      %get3A = arith.index_cast %add3A_44 : i32 to index
      %get3A_45 = arith.constant 0 : index
      %get3A_46 = tpu.vector_load %arg4[%get3A, %get3A_45] {strides = array<i32>} : memref<250x80xi32, #tpu.memory_space<vmem>>, vector<16xi32>,
      %gather3A = tpu.vector_load_idx %arg6[%get3A_46] : memref<10000xf32, #tpu.memory_space<vmem>>[vector<16xi32>], vector<16xf32>,
      %swap3A_47 = arith.index_cast %scan3A_41 : i32 to index
      %swap3A_48 = arith.constant 0 : index
      %swap3A_49 = tpu.vector_load %arg7[%swap3A_47, %swap3A_48] {strides = array<i32>} : memref<125x80xf32, #tpu.memory_space<vmem>>, vector<16xf32>,
      tpu.vector_store %arg7[%swap3A_47, %swap3A_48], %gather3A {strides = array<i32>} : memref<125x80xf32, #tpu.memory_space<vmem>>, vector<16xf32>,
      %get3A_50 = arith.index_cast %add3A_44 : i32 to index
      %get3A_51 = arith.constant 16 : index
      %get3A_52 = tpu.vector_load %arg4[%get3A_50, %get3A_51] {strides = array<i32>} : memref<250x80xi32, #tpu.memory_space<vmem>>, vector<16xi32>,
      %gather3A_53 = tpu.vector_load_idx %arg6[%get3A_52] : memref<10000xf32, #tpu.memory_space<vmem>>[vector<16xi32>], vector<16xf32>,
      %swap3A_54 = arith.index_cast %scan3A_41 : i32 to index
      %swap3A_55 = arith.constant 16 : index
      %swap3A_56 = tpu.vector_load %arg7[%swap3A_54, %swap3A_55] {strides = array<i32>} : memref<125x80xf32, #tpu.memory_space<vmem>>, vector<16xf32>,
      tpu.vector_store %arg7[%swap3A_54, %swap3A_55], %gather3A_53 {strides = array<i32>} : memref<125x80xf32, #tpu.memory_space<vmem>>, vector<16xf32>,
      %get3A_57 = arith.index_cast %add3A_44 : i32 to index
      %get3A_58 = arith.constant 32 : index
      %get3A_59 = tpu.vector_load %arg4[%get3A_57, %get3A_58] {strides = array<i32>} : memref<250x80xi32, #tpu.memory_space<vmem>>, vector<16xi32>,
      %gather3A_60 = tpu.vector_load_idx %arg6[%get3A_59] : memref<10000xf32, #tpu.memory_space<vmem>>[vector<16xi32>], vector<16xf32>,
      %swap3A_61 = arith.index_cast %scan3A_41 : i32 to index
      %swap3A_62 = arith.constant 32 : index
      %swap3A_63 = tpu.vector_load %arg7[%swap3A_61, %swap3A_62] {strides = array<i32>} : memref<125x80xf32, #tpu.memory_space<vmem>>, vector<16xf32>,
      tpu.vector_store %arg7[%swap3A_61, %swap3A_62], %gather3A_60 {strides = array<i32>} : memref<125x80xf32, #tpu.memory_space<vmem>>, vector<16xf32>,
      %get3A_64 = arith.index_cast %add3A_44 : i32 to index
      %get3A_65 = arith.constant 48 : index
      %get3A_66 = tpu.vector_load %arg4[%get3A_64, %get3A_65] {strides = array<i32>} : memref<250x80xi32, #tpu.memory_space<vmem>>, vector<16xi32>,
      %gather3A_67 = tpu.vector_load_idx %arg6[%get3A_66] : memref<10000xf32, #tpu.memory_space<vmem>>[vector<16xi32>], vector<16xf32>,
      %swap3A_68 = arith.index_cast %scan3A_41 : i32 to index
      %swap3A_69 = arith.constant 48 : index
      %swap3A_70 = tpu.vector_load %arg7[%swap3A_68, %swap3A_69] {strides = array<i32>} : memref<125x80xf32, #tpu.memory_space<vmem>>, vector<16xf32>,
      tpu.vector_store %arg7[%swap3A_68, %swap3A_69], %gather3A_67 {strides = array<i32>} : memref<125x80xf32, #tpu.memory_space<vmem>>, vector<16xf32>,
      %get3A_71 = arith.index_cast %add3A_44 : i32 to index
      %get3A_72 = arith.constant 64 : index
      %get3A_73 = tpu.vector_load %arg4[%get3A_71, %get3A_72] {strides = array<i32>} : memref<250x80xi32, #tpu.memory_space<vmem>>, vector<16xi32>,
      %gather3A_74 = tpu.vector_load_idx %arg6[%get3A_73] : memref<10000xf32, #tpu.memory_space<vmem>>[vector<16xi32>], vector<16xf32>,
      %swap3A_75 = arith.index_cast %scan3A_41 : i32 to index
      %swap3A_76 = arith.constant 64 : index
      %swap3A_77 = tpu.vector_load %arg7[%swap3A_75, %swap3A_76] {strides = array<i32>} : memref<125x80xf32, #tpu.memory_space<vmem>>, vector<16xf32>,
      tpu.vector_store %arg7[%swap3A_75, %swap3A_76], %gather3A_74 {strides = array<i32>} : memref<125x80xf32, #tpu.memory_space<vmem>>, vector<16xf32>,
    }
    %scan3A_40 = arith.constant 125 : i32
    "tpu.region"() ({
      %run_scoped3A = tpu.sem_alloc : memref<!tpu.dma_semaphore, #tpu.memory_space<semaphore_mem>>
      %dma_start3A = arith.constant 0 : i32
      %dma_start3A_41 = arith.constant 0 : i32
      %dma_start3A_42 = tpu.memref_slice %arg3[%add3A, %dma_start3A, %dma_start3A_41] : memref<32x125x80xf32, #tpu.memory_space<hbm>> -> memref<1x125x80xf32, #tpu.memory_space<hbm>>
      %dma_start3A_43 = tpu.memref_squeeze %dma_start3A_42 : memref<1x125x80xf32, #tpu.memory_space<hbm>> -> memref<125x80xf32, #tpu.memory_space<hbm>>
      %dma_start3A_44 = arith.constant 0 : i32
      %dma_start3A_45 = arith.constant 0 : i32
      %dma_start3A_46 = tpu.memref_slice %arg3[%add3A, %dma_start3A_44, %dma_start3A_45] : memref<32x125x80xf32, #tpu.memory_space<hbm>> -> memref<1x125x80xf32, #tpu.memory_space<hbm>>
      %dma_start3A_47 = tpu.memref_squeeze %dma_start3A_46 : memref<1x125x80xf32, #tpu.memory_space<hbm>> -> memref<125x80xf32, #tpu.memory_space<hbm>>
      tpu.enqueue_dma source(%arg7 : memref<125x80xf32, #tpu.memory_space<vmem>>) target(%dma_start3A_47 : memref<125x80xf32, #tpu.memory_space<hbm>>) target_semaphore(%run_scoped3A : memref<!tpu.dma_semaphore, #tpu.memory_space<semaphore_mem>>)
      %dma_wait3A = arith.constant 0 : i32
      %dma_wait3A_48 = arith.constant 0 : i32
      %dma_wait3A_49 = tpu.memref_slice %arg3[%add3A, %dma_wait3A, %dma_wait3A_48] : memref<32x125x80xf32, #tpu.memory_space<hbm>> -> memref<1x125x80xf32, #tpu.memory_space<hbm>>
      %dma_wait3A_50 = tpu.memref_squeeze %dma_wait3A_49 : memref<1x125x80xf32, #tpu.memory_space<hbm>> -> memref<125x80xf32, #tpu.memory_space<hbm>>
      %dma_wait3A_51 = arith.constant 0 : i32
      %dma_wait3A_52 = arith.constant 0 : i32
      %dma_wait3A_53 = tpu.memref_slice %arg3[%add3A, %dma_wait3A_51, %dma_wait3A_52] : memref<32x125x80xf32, #tpu.memory_space<hbm>> -> memref<1x125x80xf32, #tpu.memory_space<hbm>>
      %dma_wait3A_54 = tpu.memref_squeeze %dma_wait3A_53 : memref<1x125x80xf32, #tpu.memory_space<hbm>> -> memref<125x80xf32, #tpu.memory_space<hbm>>
      tpu.wait_dma2 semaphore(%run_scoped3A : memref<!tpu.dma_semaphore, #tpu.memory_space<semaphore_mem>>) src(%arg7 : memref<125x80xf32, #tpu.memory_space<vmem>>) dst(%dma_wait3A_54 : memref<125x80xf32, #tpu.memory_space<hbm>>)
      tpu.yield
    }) : () -> ()
    return
  }
}

</mosaic_0001>

<sc_bundles>
// kernel: kernel.3.cloned.1.call-start
scs
__scs_entry_jumppad:
0x0: {  	(pc) =	sbr.rel $0x88, $3  }
0x1: {  	(tag) =	ssettag $0x0;
	lr =	simm.s32 $0x1  }
0x2: {  	[smem:$0x3FA0] =	sst lr;
	_ =	strace $0xD0000000  }
0x3: {  	_ = 	snop  }
0x4: {  	_ = 	snop  }
0x5: {  	_ = 	snop  }
0x6: {  	_ = 	snop  }
0x7: {  	_ = 	snop  }
__scs_overlays_trampoline_lowered:
0x8: {  	[smem:$0x3FAF] =	sst s0  }
0x9: {  	[smem:$0x3FB0] =	sst s1  }
0xa: {  	[smem:$0x3FB1] =	sst s2  }
0xb: {  	[smem:$0x3FB2] =	sst s3  }
0xc: {  	[smem:$0x3FB3] =	sst s4  }
0xd: {  	[smem:$0x3FB4] =	sst s5  }
0xe: {  	[smem:$0x3FB5] =	sst s6  }
0xf: {  	[smem:$0x3FB6] =	sst s7  }
0x10: {  	[smem:$0x3FB7] =	sst s8  }
0x11: {  	[smem:$0x3FB8] =	sst s9;
	s0 =	simm.s32 @!p0 $0x0  }
0x12: {  	s1 =	sld [smem:$0x3F9E];
	s0 =	simm.s32 @p0 $0x1  }
0x13: {  	[smem:$0x3FB9] =	sst s0;
	s0 =	simm.s32 @!p1 $0x0  }
0x14: {  	s2 =	sld [smem:$0x3F9D];
	s0 =	simm.s32 @p1 $0x1  }
0x15: {  	[smem:$0x3FBA] =	sst s0;
	s0 =	simm.s32 @!p2 $0x0  }
0x16: {  	s3 =	sld [smem:$0x3FDB];
	s0 =	simm.s32 @p2 $0x1  }
0x17: {  	s4 =	simm.s32 $0x1BF5;
	[smem:$0x3FBC] =	sst s0  }
0x18: {  	s0 =	sld [smem:$0x3F9F];
	_ =	swait.ge [sflag:s4], $0x0  }
0x19: {  	s7 =	sld [smem:$0x3FA0]  }
0x1a: {  	s8 =	sadd.s32 $0xFFFFE003, lr  }
0x1b: {  	s9 =	sadd.s32 $0xFFFFFEF7, lr;
	s5 =	simm.s32 $0xFFFFFFFF;
	p2 =	slt.u32 s8, $0xFFFFF086  }
0x1c: {  	p1 =	slt.u32 s9, $0xF7A;
	s5 =	simm.s32 @!p2 $0x0  }
0x1d: {  	s5 =	simm.s32 @p1 $0x1;
	p0 =	seq.s32 s7, s2  }
0x1e: {  	s7 =	smul.u32 @!p0 $0xF7A, s2;
	p2 =	seq.s32 @!p0 s5, $0x0  }
0x1f: {  	s9 =	smul.u32 $0xF7A, s1;
	s8 =	simm.s32 @!p0 $0x1BF5;
	p2 =	por !p2, p0  }
0x20: {  	[sflag:s8] =	ssyncset.s32 @!p0 $0xFFFFF086;
	s6 =	sadd.s32 @!p0 s3, s7;
	s7 =	simm.s32 @!p0 $0x108  }
0x21: {  	s3 =	sadd.s32 s3, s9;
	s6 =	sadd.s32 @!p0 $0x88, s6;
	s7 =	simm.s32 @p2 $0x1082  }
0x22: {  	[simem:s7], [sflag:s8] =	dma.local @!p0 [hbm:s6], $0xF7A  }
0x23: {  	s9 =	sor.u32 $0xD0000000, s2;
	s6 =	simm.s32 $0x108;
	_ =	swait.ge @!p0 [sflag:s8], $0x0  }
0x24: {  	s3 =	sadd.s32 $0x88, s3;
	s6 =	simm.s32 @!p1 $0x1082;
	[sflag:s4] =	ssyncset.s32 $0xFFFFF086  }
0x25: {  	[simem:s6], [sflag:s4] =	dma.local [hbm:s3], $0xF7A  }
0x26: {  	[smem:$0x3FA0] =	sst s1;
	(tag) =	ssettag s2;
	_ =	strace s9  }
0x27: {  	s1 =	sld [smem:$0x3FB0]  }
0x28: {  	s2 =	sld [smem:$0x3FB1]  }
0x29: {  	s4 =	sld [smem:$0x3FB3]  }
0x2a: {  	p0 =	seq.s32 s5, $0x0;
	s5 =	sld [smem:$0x3FB4]  }
0x2b: {  	s6 =	sld [smem:$0x3FB5]  }
0x2c: {  	s7 =	sld [smem:$0x3FB6]  }
0x2d: {  	s3 =	simm.s32 $0x108;
	s8 =	sld [smem:$0x3FB7]  }
0x2e: {  	s3 =	simm.s32 @!p0 $0x1082;
	s9 =	sld [smem:$0x3FB8]  }
0x2f: {  	lr =	sadd.s32 s0, s3;
	s0 =	sld [smem:$0x3FAF]  }
0x30: {  	s3 =	sld [smem:$0x3FB2]  }
0x31: {  	[smem:$0x3FBB] =	sst s10  }
0x32: {  	s10 =	sld [smem:$0x3FB9];
	_ =	sdelay $0x3  }
0x33: {  	p0 =	seq.s32 s10, $0x1;
	s10 =	sld [smem:$0x3FBB];
	_ =	sdelay $0x3  }
0x34: {  	[smem:$0x3FBB] =	sst s10  }
0x35: {  	s10 =	sld [smem:$0x3FBA];
	_ =	sdelay $0x3  }
0x36: {  	p1 =	seq.s32 s10, $0x1;
	s10 =	sld [smem:$0x3FBB];
	_ =	sdelay $0x3  }
0x37: {  	[smem:$0x3FBB] =	sst s10  }
0x38: {  	s10 =	sld [smem:$0x3FBC]  }
0x39: {  	_ = 	snop;
	(pc) =	sbr.ind lr, $3  }
0x3a: {  	_ = 	snop  }
0x3b: {  	_ = 	snop  }
0x3c: {  	p2 =	seq.s32 s10, $0x1;
	s10 =	sld [smem:$0x3FBB]  }
0x3d: {  	_ =	shalt  }
0x3e: {  	_ =	shalt  }
0x3f: {  	_ =	shalt  }
0x40: {  	_ =	shalt  }
0x41: {  	_ =	shalt  }
0x42: {  	_ =	shalt  }
0x43: {  	_ =	shalt  }
0x44: {  	_ =	shalt  }
0x45: {  	_ =	shalt  }
0x46: {  	_ =	shalt  }
0x47: {  	_ =	shalt  }
0x48: {  	_ =	shalt  }
0x49: {  	_ =	shalt  }
0x4a: {  	_ =	shalt  }
0x4b: {  	_ =	shalt  }
0x4c: {  	_ =	shalt  }
0x4d: {  	_ =	shalt  }
0x4e: {  	_ =	shalt  }
0x4f: {  	_ =	shalt  }
0x50: {  	_ =	shalt  }
0x51: {  	_ =	shalt  }
0x52: {  	_ =	shalt  }
0x53: {  	_ =	shalt  }
0x54: {  	_ =	shalt  }
0x55: {  	_ =	shalt  }
0x56: {  	_ =	shalt  }
0x57: {  	_ =	shalt  }
0x58: {  	_ =	shalt  }
0x59: {  	_ =	shalt  }
0x5a: {  	_ =	shalt  }
0x5b: {  	_ =	shalt  }
0x5c: {  	_ =	shalt  }
0x5d: {  	_ =	shalt  }
0x5e: {  	_ =	shalt  }
0x5f: {  	_ =	shalt  }
0x60: {  	_ =	shalt  }
0x61: {  	_ =	shalt  }
0x62: {  	_ =	shalt  }
0x63: {  	_ =	shalt  }
0x64: {  	_ =	shalt  }
0x65: {  	_ =	shalt  }
0x66: {  	_ =	shalt  }
0x67: {  	_ =	shalt  }
0x68: {  	_ =	shalt  }
0x69: {  	_ =	shalt  }
0x6a: {  	_ =	shalt  }
0x6b: {  	_ =	shalt  }
0x6c: {  	_ =	shalt  }
0x6d: {  	_ =	shalt  }
0x6e: {  	_ =	shalt  }
0x6f: {  	_ =	shalt  }
0x70: {  	_ =	shalt  }
0x71: {  	_ =	shalt  }
0x72: {  	_ =	shalt  }
0x73: {  	_ =	shalt  }
0x74: {  	_ =	shalt  }
0x75: {  	_ =	shalt  }
0x76: {  	_ =	shalt  }
0x77: {  	_ =	shalt  }
0x78: {  	_ =	shalt  }
0x79: {  	_ =	shalt  }
0x7a: {  	_ =	shalt  }
0x7b: {  	_ =	shalt  }
0x7c: {  	_ =	shalt  }
0x7d: {  	_ =	shalt  }
0x7e: {  	_ =	shalt  }
0x7f: {  	_ =	shalt  }
0x80: {  	_ =	shalt  }
0x81: {  	_ =	shalt  }
0x82: {  	_ =	shalt  }
0x83: {  	_ =	shalt  }
0x84: {  	_ =	shalt  }
0x85: {  	_ =	shalt  }
0x86: {  	_ =	shalt  }
0x87: {  	_ =	shalt  }
.Lfunc_end0:
.L_simem_size_0:
called_computation_lowered:
.L_overlay_start_0:
0x88: {  	s2 =	sld [smem:$0x3FD9]  }
0x89: {  	s3 =	sld [smem:$0x3FFE];
	_ =	sdelay $0x1  }
0x8a: {  	s1 =	srdreg.scid  }
0x8b: {  	s0 =	sand.u32 $0x1, s1  }
0x8c: {  	s16 =	sshll.u32 s0, $0xA;
	s2 =	sadd.s32 s3, s2  }
0x8d: {  	s2 =	sadd.s32 s2, s16  }
0x8e: {  	[smem:$0x3FC7] =	sst s2  }
0x8f: {  	_ = 	snop  }
0x90: {  	(tm) =	ssettm $0x1  }
0x91: {  	s17 =	sld [smem:$0x3FFB];
	_ =	sdelay $0x3  }
0x92: {  	_ =	strace s17  }
0x93: {  	s2 =	sld [smem:$0x3FFC];
	_ =	sdelay $0x3  }
0x94: {  	_ =	strace s2  }
0x95: {  	s2 =	sld [smem:$0x3FFD];
	_ =	sdelay $0x3  }
0x96: {  	_ =	strace s2  }
0x97: {  	_ =	strace $0x8FFFFFFF  }
0x98: {  	s18 =	sld [smem:$0x3FDB];
	_ =	sdelay $0x1  }
0x99: {  	s19 =	simm.s32 $_scs_section_size  }
0x9a: {  	s4 =	simm.s32 $_size__tile_overlayer_lowered;
	s5 =	simm.s32 $_tile_overlayer_lowered  }
0x9b: {  	s22 =	simm.s32 $0x1BFF;
	s21 =	sshll.u32 s5, $0x1;
	s2 =	sadd.s32 s19, s18  }
0x9c: {  	s6 =	simm.s32 $0x0;
	s20 =	sshll.u32 s4, $0x1;
	s4 =	sadd.s32 s21, s2  }
0x9d: {  	[timem:s6], [sflag:s22] =	dma.local [hbm:s4], s20  }
0x9e: {  	_ =	swait.ge [sflag:s22], s20  }
0x9f: {  	s3 =	ssub.s32 $0x0, s20;
	[sflag:s22] =	ssyncset.done $0x0  }
0xa0: {  	[sflag:s22] =	ssyncadd.s32 s3;
	_ =	sdelay $0x1  }
0xa1: {  	s23 =	simm.s32 $0x1B8B  }
0xa2: {  	_ =	swait.ge [sflag:s23], $0x1  }
0xa3: {  	[sflag:s23] =	ssyncset.done $0x0  }
0xa4: {  	s25 =	simm.s32 $0x1B8E;
	s24 =	sld [smem:$0x3FFE];
	[sflag:s23] =	ssyncadd.s32 $0xFFFFFFFF  }
0xa5: {  	s26 =	simm.s32 $execute0_lowered;
	[smem:$0x3FD2] =	sst s25  }
0xa6: {  	s4 =	sshll.u32 s26, $0x1;
	_ =	strace $0x80000046;
	[dreg:$0x1] =	wrdreg $0xFFFFFFFF  }
0xa7: {  	s28 =	simm.s32 $_size_execute0_lowered;
	s2 =	sadd.s32 s2, s4;
	[dreg:$0x0] =	wrdreg $0x0  }
0xa8: {  	s4 =	sshll.u32 s28, $0x1;
	[dreg:$0x2] =	wrdreg s2  }
0xa9: {  	[dreg:$0x3] =	wrdreg s4  }
0xaa: {  	[dreg:$0x4] =	wrdreg $0xC0  }
0xab: {  	_ =	task [dreg:s6], $0x5FFFF  }
0xac: {  	[dreg:$0x1] =	wrdreg $0xFFFFFFFF  }
0xad: {  	[dreg:$0x0] =	wrdreg $0x60  }
0xae: {  	[dreg:$0x2] =	wrdreg s24  }
0xaf: {  	[dreg:$0x3] =	wrdreg $0xE8000  }
0xb0: {  	[dreg:$0x4] =	wrdreg $0x9  }
0xb1: {  	_ =	task.clear_ibuf [dreg:s6], $0x5FFFF;
	_ =	strace $0x90000046  }
0xb2: {  	s29 =	simm.s32 $0x9;
	_ =	strace $0x80000048  }
0xb3: {  	_ =	swait.ge [sflag:s29], $0x1  }
0xb4: {  	[sflag:s29] =	ssyncadd.s32 $0xFFFFFFFF  }
0xb5: {  	_ =	strace $0x90000048  }
0xb6: {  	_ =	sfence  }
0xb7: {  	s30 =	sld [smem:$0x0];
	_ =	sdelay $0x2  }
0xb8: {  	s31 =	sshll.u32 s1, $0xD;
	s1 =	sshrl.u32 s1, $0x2  }
0xb9: {  	s3 =	sand.u32 $0x4000, s31;
	s1 =	sadd.s32 s1, s30  }
0xba: {  	s0 =	sor.u32 s3, s0;
	s1 =	sshll.u32 s1, $0x11  }
0xbb: {  	s0 =	sor.u32 s1, s0  }
0xbc: {  	s0 =	sadd.s32 $0x8F2B, s0  }
0xbd: {  	[sflag:s0] =	ssyncadd.remote.s32 $0x1  }
0xbe: {  	_ =	sfence.sel $0xFFFF  }
0xbf: {  	[dreg:$0x0] =	wrdreg $0xFFFFFFFF;
	(pc) =	sbr.abs _section_cstart, $3  }
0xc0: {  	[dreg:$0x1] =	wrdreg $0xFFFFFFFF  }
0xc1: {  	_ =	task.clear_ibuf [dreg:s6], $0x2FFFF;
	_ =	strace $0x9FFFFFFF  }
0xc2: {  	(tm) =	ssettm $0x7FFFFFFF  }
0xc3: {  	_ =	shalt  }
tec
execute0_lowered:
.L_overlay_start_1:
0x0: {  	(tag) =	ssettag $0x1  }
0x1: {  	s3 =	rddreg [dreg:$0x0]  }
0x2: {  	s1 =	rddreg [dreg:$0x1];
	s4 =	srdreg.scid  }
0x3: {  	s0 =	rddreg [dreg:$0x2];
	s4 =	sand.u32 $0x1, s4  }
0x4: {  	s2 =	simm.s32 $0x0;
	s7 =	stileid.u32;
	s10 =	smul.u32 $0xFA00, s4  }
0x5: {  	[smem:$0x7FF] =	sst s2;
	s9 =	sshll.u32 s7, $0xC;
	p0 =	sne.s32 s7, $0x0  }
0x6: {  	s7 =	simm.s32 $0x50;
	s5 =	sshll.u32 s4, $0xB;
	s31 =	sshrl.u32 s10, $0x2  }
0x7: {  	s6 =	ssub.s32 $0x2, s4;
	_ =	strace $0x80000047;
	s11 =	sor.u32 $0x20, s31  }
0x8: {  	s5 =	sadd.s32 s5, s3;
	s8 =	sshrl.u32 s6, $0x1;
	s3 =	sadd.s32 s3, s9;
	v2 =	vmov s11  }
0x9: {  	s6 =	ssub.s32 s6, s8;
	s30 =	sadd.s32 s9, s5;
	s8 =	simm.s32 $0x8000  }
0xa: {  	s9 =	simm.s32 $0x8080;
	s10 =	simm.s32 $0xA800;
	s4 =	sadd.s32 $0x10000, s30  }
0xb: {  	v0 =	vimm.f32 $1.000000000e+00;
	v1 =	vimm.f32 $0.0e+00;
	s5 =	smax.u32 s6, $0x1;
	s6 =	simm.s32 $0x1;
	s11 =	simm.s32 $0x0  }
.LBB2_1:
0xc: {  	[tilespmem:s2], [sflag:$0x1] =	stream.linear.gather [hbm4b:s3+s2], $0x7D00, $0x38;
	[tilespmem:$0xEA78] =	vst v63  }
0xd: {  	_ =	swait.ge [sflag:s6], $0x7D00  }
0xe: {  	[sflag:s6] =	ssyncset.done $0x0  }
0xf: {  	[sflag:s6] =	ssyncadd.s32 $0xFFFF8300  }
0x10: {  	[tilespmem:$0x8000] =	vst v0  }
0x11: {  	[tilespmem:$0x8010] =	vst v0  }
0x12: {  	[tilespmem:$0x8020] =	vst v0  }
0x13: {  	[tilespmem:$0x8030] =	vst v0  }
0x14: {  	s12 =	simm.s32 $0x40;
	s13 =	simm.s32 $0x0;
	[tilespmem:$0x8040] =	vst v0  }
.LBB2_2:
0x15: {  	p1 =	sne.s32 s12, $0x9C00;
	[tilespmem:s13+$0x8080] =	vst v1;
	s13 =	smov.u32 s12;
	s12 =	sadd.s32 $0x40, s12  }
.Ltmp0:
0x16: {  	(pc) =	sbr.rel @p1 .LBB2_2-.Ltmp0, $2  }
0x17: {  	_ =	sdelay $0x2  }
0x18: {  	s13 =	sshra.s32 s13, $0x2  }
0x19: {  	[tilespmem:s13+$0x8080] =	vst v1;
	s12 =	simm.s32 @!p0 $0x8080  }
0x1a: {  	[spmem:s1] =	stream.linear.scatter @!p0 [tilespmem:s12], [sflag:$0x1], $0x2780, $0x38;
	[tilespmem:$0xEA78] =	vst v63  }
0x1b: {  	s12 =	simm.s32 @!p0 $0x1  }
0x1c: {  	_ =	swait.ge @!p0 [sflag:s12], $0x2780  }
0x1d: {  	[sflag:s12] =	ssyncset.done @!p0 $0x0  }
0x1e: {  	[sflag:s12] =	ssyncadd.s32 @!p0 $0xFFFFD880  }
0x1f: {  	s31 =	simm.s32 $0x0;
	[bflag:$0x0] =	sbarrier.arrive $0xFFFF  }
0x20: {  	[spmem:s1] =	stream.indirect.scatter.add.f32 [tilespmem:s8], [sflag:$0x1], $0x1, s31, s7, $0xb8;
	[tilespmem:$0xEA78] =	vst v63  }
0x21: {  	_ =	swait.ge [sflag:s6], $0x50  }
0x22: {  	s12 =	simm.s32 $0x200;
	[sflag:s6] =	ssyncset.done $0x0  }
.LBB2_4:
0x23: {  	s13 =	sshra.s32 s12, $0x2;
	[sflag:s6] =	ssyncadd.s32 $0xFFFFFFB0;
	p1 =	sne.s32 s12, $0x1F200  }
0x24: {  	[spmem:s1] =	stream.indirect.scatter.add.f32 [tilespmem:s8], [sflag:$0x1], $0x1, s13, s7, $0xb8;
	[tilespmem:$0xEA78] =	vst v63  }
.Ltmp1:
0x25: {  	_ = 	snop;
	(pc) =	sbr.rel @p1 .LBB2_4-.Ltmp1, $4  }
0x26: {  	_ = 	snop  }
0x27: {  	s12 =	sadd.s32 $0x200, s12  }
0x28: {  	_ =	swait.ge [sflag:s6], $0x50  }
0x29: {  	[sflag:s6] =	ssyncset.done $0x0  }
0x2a: {  	[sflag:s6] =	ssyncadd.s32 $0xFFFFFFB0  }
0x2b: {  	[bflag:$0x0] =	sbarrier.arrive $0xFFFF  }
0x2c: {  	[tilespmem:s9], [sflag:$0x1] =	stream.linear.gather [spmem:s1], $0x2780, $0x38;
	[tilespmem:$0xEA78] =	vst v63  }
0x2d: {  	_ =	swait.ge [sflag:s6], $0x2780  }
0x2e: {  	s12 =	simm.s32 $0x0;
	[sflag:s6] =	ssyncset.done $0x0  }
0x2f: {  	s13 =	simm.s32 $0x0;
	s14 =	simm.s32 $0x40;
	[sflag:s6] =	ssyncadd.s32 $0xFFFFD880  }
.LBB2_6:
0x30: {  	p1 =	sne.s32 s14, $0x9C00;
	v3 =	vld [tilespmem:s13+$0x8080];
	_ =	sdelay $0x4  }
0x31: {  	v3 =	vmax.f32 v3, $1.000000000e+00  }
0x32: {  	(erf) = vrcp.f32 v3;
	_ =	sdelay $0x5  }
.Ltmp2:
0x33: {  	(pc) =	sbr.rel @p1 .LBB2_6-.Ltmp2, $3  }
0x34: {  	_ =	sdelay $0x1  }
0x35: {  	v3 =	vpop (erf)  }
0x36: {  	[tilespmem:s13+$0x8080] =	vst v3;
	s13 =	sshra.s32 s14, $0x2;
	s14 =	sadd.s32 $0x40, s14  }
0x37: {  	v3 =	vld [tilespmem:s13+$0x8080];
	_ =	sdelay $0x4  }
0x38: {  	v3 =	vmax.f32 v3, $1.000000000e+00  }
0x39: {  	(erf) = vrcp.f32 v3;
	_ =	sdelay $0x8  }
0x3a: {  	v3 =	vpop (erf)  }
0x3b: {  	[tilespmem:s13+$0x8080] =	vst v3  }
.LBB2_8:
0x3c: {  	s13 =	sshra.s32 s12, $0x2  }
0x3d: {  	v3 =	vld.idx.msk [tilespmem:v2+s13+$0xFFFFFFE0 ss:$0x1], $0xffff;
	_ =	sdelay $0x7  }
0x3e: {  	v3 =	vld.idx.msk [tilespmem:v3+s9+$0x0], $0xffff;
	_ =	sdelay $0x4  }
0x3f: {  	[tilespmem:s13+$0xA800] =	vst v3  }
0x40: {  	v3 =	vld.idx.msk [tilespmem:v2+s13+$0xFFFFFFF0 ss:$0x1], $0xffff;
	_ =	sdelay $0x7  }
0x41: {  	v3 =	vld.idx.msk [tilespmem:v3+s9+$0x0], $0xffff;
	_ =	sdelay $0x4  }
0x42: {  	[tilespmem:s13+$0xA810] =	vst v3  }
0x43: {  	v3 =	vld.idx.msk [tilespmem:v2+s13+$0x0 ss:$0x1], $0xffff;
	_ =	sdelay $0x7  }
0x44: {  	v3 =	vld.idx.msk [tilespmem:v3+s9+$0x0], $0xffff;
	_ =	sdelay $0x4  }
0x45: {  	[tilespmem:s13+$0xA820] =	vst v3  }
0x46: {  	v3 =	vld.idx.msk [tilespmem:v2+s13+$0x10 ss:$0x1], $0xffff;
	_ =	sdelay $0x7  }
0x47: {  	v3 =	vld.idx.msk [tilespmem:v3+s9+$0x0], $0xffff;
	_ =	sdelay $0x4  }
0x48: {  	[tilespmem:s13+$0xA830] =	vst v3  }
0x49: {  	v3 =	vld.idx.msk [tilespmem:v2+s13+$0x20 ss:$0x1], $0xffff;
	_ =	sdelay $0x7  }
0x4a: {  	p1 =	sne.s32 s12, $0xF800;
	v3 =	vld.idx.msk [tilespmem:v3+s9+$0x0], $0xffff  }
.Ltmp3:
0x4b: {  	_ = 	snop;
	(pc) =	sbr.rel @p1 .LBB2_8-.Ltmp3, $2  }
0x4c: {  	_ =	sdelay $0x2  }
0x4d: {  	s12 =	sadd.s32 $0x200, s12;
	[tilespmem:s13+$0xA840] =	vst v3  }
0x4e: {  	s11 =	sadd.s32 $0x1, s11  }
0x4f: {  	p1 =	sne.s32 s11, s5  }
.Ltmp4:
0x50: {  	_ = 	snop;
	(pc) =	sbr.rel @p1 .LBB2_1-.Ltmp4, $4  }
0x51: {  	[hbm4b:s4+s2] =	stream.linear.scatter [tilespmem:s10], [sflag:$0x1], $0x3E80, $0x38;
	[tilespmem:$0xEA78] =	vst v63  }
0x52: {  	_ =	swait.ge [sflag:s6], $0x3E80  }
0x53: {  	[sflag:s6] =	ssyncset.done $0x0  }
0x54: {  	[sflag:s6] =	ssyncadd.s32 $0xFFFFC180  }
0x55: {  	_ =	sfence.sel $0x180000  }
0x56: {  	[bflag:$0x0] =	sbarrier.arrive $0xFFFF  }
0x57: {  	_ =	strace $0x90000047  }
0x58: {  	s0 =	sadd.s32 @!p0 $0x100000, s0;
	[bflag:$0x2] =	sbarrier.arrive $0xFFFF  }
0x59: {  	[sflag:s0] =	ssyncadd.tile.s32 @!p0 $0x1;
	_ =	shalt  }
.Lfunc_end2:
_tile_overlayer_lowered:
.L_overlay_start_2:
0x5a: {  	(tag) =	ssettag $0x2  }
0x5b: {  	s0 =	rddreg [dreg:$0x0];
	s2 =	stileid.u32  }
0x5c: {  	s1 =	rddreg [dreg:$0x1];
	p0 =	sne.s32 s2, $0x0  }
0x5d: {  	s3 =	rddreg [dreg:$0x2];
	[bflag:$0x3] =	sbarrier.arrive $0xFFFF;
	s2 =	simm.s32 @!p0 $0x1C01  }
0x5e: {  	[timem:s3], [sflag:s2] =	dma.local @!p0 [hbm:s0], s1  }
0x5f: {  	s0 =	simm.s32 @!p0 $0x1  }
0x60: {  	_ =	swait.ge @!p0 [sflag:s0], s1  }
0x61: {  	s1 =	ssub.s32 @!p0 $0x0, s1;
	[sflag:s0] =	ssyncset.done @!p0 $0x0  }
0x62: {  	[sflag:s0] =	ssyncadd.s32 @!p0 s1  }
0x63: {  	[bflag:$0x3] =	sbarrier.arrive $0xFFFF  }
0x64: {  	_ =	shalt  }

</sc_bundles>
